<compile_context>
chip_gen: v7x
topology: tpu7x:2x2x1
jax: 0.10.2.dev20260603
libtpu: 0.0.44.dev20260713+nightly
codegen_flags: <defaults>
</compile_context>

<pallas_src>
import functools

import jax
import jax.numpy as jnp
from jax import lax
from jax.experimental import pallas as pl
from jax.experimental.pallas import tpu as pltpu
from jax.experimental.pallas import tpu_sc as plsc

_DIM = 2048
_B = 4 * 4096
_NC = 2
_NS = 16
_NW = _NC * _NS
_BPW = _B // _NW
_CHUNK = 16
_NCHUNK = _BPW // _CHUNK
_NBUF = 3

_mesh = plsc.VectorSubcoreMesh(core_axis_name="c", subcore_axis_name="s")


@functools.partial(
    pl.kernel,
    mesh=_mesh,
    out_type=jax.ShapeDtypeStruct((_B, _DIM), jnp.float32),
    scratch_types=[
        pltpu.VMEM((_NCHUNK, _CHUNK), jnp.int32),
    ] + [pltpu.VMEM((_CHUNK, _DIM), jnp.float32) for _ in range(_NBUF)]
      + [pltpu.SemaphoreType.DMA for _ in range(2 * _NBUF)],
)
def _embed_gather(idx_hbm, table_hbm, out_hbm, idx_v, *bufs):
    rows = bufs[:_NBUF]
    gsem = bufs[_NBUF:2 * _NBUF]
    ssem = bufs[2 * _NBUF:]
    wid = lax.axis_index("s") * _NC + lax.axis_index("c")
    base = wid * _BPW

    def start_gather(chunk, b):
        pltpu.make_async_copy(
            table_hbm.at[idx_v.at[chunk]], rows[b], gsem[b]).start()

    def wait_gather(b):
        pltpu.make_async_copy(
            table_hbm.at[idx_v.at[0]], rows[b], gsem[b]).wait()

    def start_store(chunk, b):
        pltpu.make_async_copy(
            rows[b],
            out_hbm.at[pl.ds(base + chunk * _CHUNK, _CHUNK)],
            ssem[b]).start()

    def wait_store(b):
        pltpu.make_async_copy(
            rows[b], out_hbm.at[pl.ds(base, _CHUNK)], ssem[b]).wait()

    pltpu.sync_copy(idx_hbm.at[wid], idx_v)

    start_gather(0, 0)
    start_gather(1, 1)
    wait_gather(0)
    start_store(0, 0)
    start_gather(2, 2)

    def body(j, carry):
        for k in range(_NBUF):
            t = _NBUF * j + 1 + k
            b = (1 + k) % _NBUF
            b2 = k
            wait_gather(b)
            start_store(t, b)

            @pl.when(t + 2 < _NCHUNK)
            def _():
                wait_store(b2)
                start_gather(t + 2, b2)
        return carry

    lax.fori_loop(0, (_NCHUNK - 2) // _NBUF, body, 0)

    wait_gather(1)
    start_store(_NCHUNK - 1, 1)
    wait_store(2)
    wait_store(0)
    wait_store(1)


def kernel(input_ids, embed_tokens_weight):
    idx = input_ids.reshape(_NW, _NCHUNK, _CHUNK)
    out = _embed_gather(idx, embed_tokens_weight)
    return out.reshape(input_ids.shape + (_DIM,))

# --- scband reference (transcript-rebuilt; emitter-appended) ---
"""Pipeline reference for scband-embedding-15779709845816 (READ-ONLY COPY).

The authoritative reference and input builder live on the scoring server;
editing this copy changes nothing except your own understanding.
"""

import jax, jax.numpy as jnp
import numpy as np

VOCAB = 128256
DIM = 2048
BATCH = 4
SEQ = 4096


def setup_inputs(seed: int = 0) -> dict:
    key = jax.random.key(seed)
    k_idx, k_tab = jax.random.split(key)
    input_ids = jax.random.randint(k_idx, (BATCH, SEQ), 0, VOCAB, dtype=jnp.int32)
    # learned embedding table (transformer.embed_tokens.weight), sized per init_kwargs
    embed_tokens_weight = jax.random.normal(k_tab, (VOCAB, DIM), dtype=jnp.float32) * 0.02
    return {"input_ids": input_ids, "embed_tokens_weight": embed_tokens_weight}


def reference(input_ids, embed_tokens_weight):
    # nn.Embedding forward: row-gather from the table
    return jnp.take(embed_tokens_weight, input_ids, axis=0)

if __name__ == "__main__":
    import jax
    _d = setup_inputs()
    print(jax.jit(kernel)(*tuple(_d.values())))

</pallas_src>

<mosaic_0001>
#map = affine_map<(d0, d1) -> (0, 0, 0)>
#map1 = affine_map<(d0, d1) -> (0, 0)>
module attributes {stable_mosaic.version = 14 : i64} {
  func.func @_embed_gather(%arg0: i32, %arg1: i32, %arg2: memref<32x32x16xi32, #tpu.memory_space<hbm>>, %arg3: memref<128256x2048xf32, #tpu.memory_space<hbm>>, %arg4: memref<16384x2048xf32, #tpu.memory_space<hbm>>, %arg5: memref<32x16xi32, #tpu.memory_space<vmem>>, %arg6: memref<16x2048xf32, #tpu.memory_space<vmem>>, %arg7: memref<16x2048xf32, #tpu.memory_space<vmem>>, %arg8: memref<16x2048xf32, #tpu.memory_space<vmem>>, %arg9: memref<!tpu.dma_semaphore, #tpu.memory_space<semaphore_mem>>, %arg10: memref<!tpu.dma_semaphore, #tpu.memory_space<semaphore_mem>>, %arg11: memref<!tpu.dma_semaphore, #tpu.memory_space<semaphore_mem>>, %arg12: memref<!tpu.dma_semaphore, #tpu.memory_space<semaphore_mem>>, %arg13: memref<!tpu.dma_semaphore, #tpu.memory_space<semaphore_mem>>, %arg14: memref<!tpu.dma_semaphore, #tpu.memory_space<semaphore_mem>>) attributes {dimension_semantics = [#tpu.dimension_semantics<core_parallel>, #tpu.dimension_semantics<subcore_parallel>], iteration_bounds = array<i64: 2, 16>, scalar_prefetch = 0 : i64, scratch_operands = 10 : i64, tpu.core_type = #tpu.core_type<sc_vector_subcore>, window_params = [{transform_indices = #map}, {transform_indices = #map1}, {transform_indices = #map1}]} {
    %mul3A = arith.constant 2 : i32
    %mul3A_0 = arith.muli %arg1, %mul3A : i32
    %add3A = arith.addi %mul3A_0, %arg0 : i32
    %mul3A_1 = arith.constant 512 : i32
    %mul3A_2 = arith.muli %add3A, %mul3A_1 : i32
    "tpu.region"() ({
      %run_scoped3A = tpu.sem_alloc : memref<!tpu.dma_semaphore, #tpu.memory_space<semaphore_mem>>
      %dma_start3A_65 = arith.constant 0 : i32
      %dma_start3A_66 = arith.constant 0 : i32
      %dma_start3A_67 = tpu.memref_slice %arg2[%add3A, %dma_start3A_65, %dma_start3A_66] : memref<32x32x16xi32, #tpu.memory_space<hbm>> -> memref<1x32x16xi32, #tpu.memory_space<hbm>>
      %dma_start3A_68 = tpu.memref_squeeze %dma_start3A_67 : memref<1x32x16xi32, #tpu.memory_space<hbm>> -> memref<32x16xi32, #tpu.memory_space<hbm>>
      %dma_start3A_69 = arith.constant 0 : i32
      %dma_start3A_70 = arith.constant 0 : i32
      %dma_start3A_71 = tpu.memref_slice %arg2[%add3A, %dma_start3A_69, %dma_start3A_70] : memref<32x32x16xi32, #tpu.memory_space<hbm>> -> memref<1x32x16xi32, #tpu.memory_space<hbm>>
      %dma_start3A_72 = tpu.memref_squeeze %dma_start3A_71 : memref<1x32x16xi32, #tpu.memory_space<hbm>> -> memref<32x16xi32, #tpu.memory_space<hbm>>
      tpu.enqueue_dma source(%dma_start3A_72 : memref<32x16xi32, #tpu.memory_space<hbm>>) target(%arg5 : memref<32x16xi32, #tpu.memory_space<vmem>>) target_semaphore(%run_scoped3A : memref<!tpu.dma_semaphore, #tpu.memory_space<semaphore_mem>>)
      %dma_wait3A_73 = arith.constant 0 : i32
      %dma_wait3A_74 = arith.constant 0 : i32
      %dma_wait3A_75 = tpu.memref_slice %arg2[%add3A, %dma_wait3A_73, %dma_wait3A_74] : memref<32x32x16xi32, #tpu.memory_space<hbm>> -> memref<1x32x16xi32, #tpu.memory_space<hbm>>
      %dma_wait3A_76 = tpu.memref_squeeze %dma_wait3A_75 : memref<1x32x16xi32, #tpu.memory_space<hbm>> -> memref<32x16xi32, #tpu.memory_space<hbm>>
      %dma_wait3A_77 = arith.constant 0 : i32
      %dma_wait3A_78 = arith.constant 0 : i32
      %dma_wait3A_79 = tpu.memref_slice %arg2[%add3A, %dma_wait3A_77, %dma_wait3A_78] : memref<32x32x16xi32, #tpu.memory_space<hbm>> -> memref<1x32x16xi32, #tpu.memory_space<hbm>>
      %dma_wait3A_80 = tpu.memref_squeeze %dma_wait3A_79 : memref<1x32x16xi32, #tpu.memory_space<hbm>> -> memref<32x16xi32, #tpu.memory_space<hbm>>
      tpu.wait_dma2 semaphore(%run_scoped3A : memref<!tpu.dma_semaphore, #tpu.memory_space<semaphore_mem>>) src(%dma_wait3A_80 : memref<32x16xi32, #tpu.memory_space<hbm>>) dst(%arg5 : memref<32x16xi32, #tpu.memory_space<vmem>>)
      tpu.yield
    }) : () -> ()
    %dma_start3A = arith.constant 0 : i32
    %dma_start3A_3 = arith.constant 0 : i32
    %dma_start3A_4 = tpu.memref_slice %arg5[%dma_start3A, %dma_start3A_3] : memref<32x16xi32, #tpu.memory_space<vmem>> -> memref<1x16xi32, #tpu.memory_space<vmem>>
    %dma_start3A_5 = tpu.memref_squeeze %dma_start3A_4 : memref<1x16xi32, #tpu.memory_space<vmem>> -> memref<16xi32, #tpu.memory_space<vmem>>
    %dma_start3A_6 = arith.constant 0 : i32
    %dma_start3A_7 = arith.constant 0 : i32
    %dma_start3A_8 = tpu.memref_slice %arg3[%dma_start3A_6, %dma_start3A_7] : memref<128256x2048xf32, #tpu.memory_space<hbm>> -> memref<128256x2048xf32, #tpu.memory_space<hbm>>
    tpu.enqueue_indirect_dma source(%dma_start3A_8 : memref<128256x2048xf32, #tpu.memory_space<hbm>>) target(%arg6 : memref<16x2048xf32, #tpu.memory_space<vmem>>) offsets(%dma_start3A_5 : memref<16xi32, #tpu.memory_space<vmem>>) semaphore(%arg9 : memref<!tpu.dma_semaphore, #tpu.memory_space<semaphore_mem>>)
    %dma_start3A_9 = arith.constant 1 : i32
    %dma_start3A_10 = arith.constant 0 : i32
    %dma_start3A_11 = tpu.memref_slice %arg5[%dma_start3A_9, %dma_start3A_10] : memref<32x16xi32, #tpu.memory_space<vmem>> -> memref<1x16xi32, #tpu.memory_space<vmem>>
    %dma_start3A_12 = tpu.memref_squeeze %dma_start3A_11 : memref<1x16xi32, #tpu.memory_space<vmem>> -> memref<16xi32, #tpu.memory_space<vmem>>
    %dma_start3A_13 = arith.constant 0 : i32
    %dma_start3A_14 = arith.constant 0 : i32
    %dma_start3A_15 = tpu.memref_slice %arg3[%dma_start3A_13, %dma_start3A_14] : memref<128256x2048xf32, #tpu.memory_space<hbm>> -> memref<128256x2048xf32, #tpu.memory_space<hbm>>
    tpu.enqueue_indirect_dma source(%dma_start3A_15 : memref<128256x2048xf32, #tpu.memory_space<hbm>>) target(%arg7 : memref<16x2048xf32, #tpu.memory_space<vmem>>) offsets(%dma_start3A_12 : memref<16xi32, #tpu.memory_space<vmem>>) semaphore(%arg10 : memref<!tpu.dma_semaphore, #tpu.memory_space<semaphore_mem>>)
    %dma_wait3A = arith.constant 0 : i32
    %dma_wait3A_16 = arith.constant 0 : i32
    %dma_wait3A_17 = tpu.memref_slice %arg5[%dma_wait3A, %dma_wait3A_16] : memref<32x16xi32, #tpu.memory_space<vmem>> -> memref<1x16xi32, #tpu.memory_space<vmem>>
    %dma_wait3A_18 = tpu.memref_squeeze %dma_wait3A_17 : memref<1x16xi32, #tpu.memory_space<vmem>> -> memref<16xi32, #tpu.memory_space<vmem>>
    %dma_wait3A_19 = arith.constant 0 : i32
    %dma_wait3A_20 = arith.constant 0 : i32
    %dma_wait3A_21 = tpu.memref_slice %arg3[%dma_wait3A_19, %dma_wait3A_20] : memref<128256x2048xf32, #tpu.memory_space<hbm>> -> memref<128256x2048xf32, #tpu.memory_space<hbm>>
    tpu.wait_indirect_dma semaphore(%arg9 : memref<!tpu.dma_semaphore, #tpu.memory_space<semaphore_mem>>) src(%dma_wait3A_21 : memref<128256x2048xf32, #tpu.memory_space<hbm>>) dst(%arg6 : memref<16x2048xf32, #tpu.memory_space<vmem>>)
    %add3A_22 = arith.constant 0 : i32
    %add3A_23 = arith.addi %mul3A_2, %add3A_22 : i32
    %dma_start3A_24 = arith.constant 0 : i32
    %dma_start3A_25 = tpu.memref_slice %arg4[%add3A_23, %dma_start3A_24] : memref<16384x2048xf32, #tpu.memory_space<hbm>> -> memref<16x2048xf32, #tpu.memory_space<hbm>>
    %dma_start3A_26 = arith.constant 0 : i32
    %dma_start3A_27 = tpu.memref_slice %arg4[%add3A_23, %dma_start3A_26] : memref<16384x2048xf32, #tpu.memory_space<hbm>> -> memref<16x2048xf32, #tpu.memory_space<hbm>>
    tpu.enqueue_dma source(%arg6 : memref<16x2048xf32, #tpu.memory_space<vmem>>) target(%dma_start3A_27 : memref<16x2048xf32, #tpu.memory_space<hbm>>) target_semaphore(%arg12 : memref<!tpu.dma_semaphore, #tpu.memory_space<semaphore_mem>>)
    %dma_start3A_28 = arith.constant 2 : i32
    %dma_start3A_29 = arith.constant 0 : i32
    %dma_start3A_30 = tpu.memref_slice %arg5[%dma_start3A_28, %dma_start3A_29] : memref<32x16xi32, #tpu.memory_space<vmem>> -> memref<1x16xi32, #tpu.memory_space<vmem>>
    %dma_start3A_31 = tpu.memref_squeeze %dma_start3A_30 : memref<1x16xi32, #tpu.memory_space<vmem>> -> memref<16xi32, #tpu.memory_space<vmem>>
    %dma_start3A_32 = arith.constant 0 : i32
    %dma_start3A_33 = arith.constant 0 : i32
    %dma_start3A_34 = tpu.memref_slice %arg3[%dma_start3A_32, %dma_start3A_33] : memref<128256x2048xf32, #tpu.memory_space<hbm>> -> memref<128256x2048xf32, #tpu.memory_space<hbm>>
    tpu.enqueue_indirect_dma source(%dma_start3A_34 : memref<128256x2048xf32, #tpu.memory_space<hbm>>) target(%arg8 : memref<16x2048xf32, #tpu.memory_space<vmem>>) offsets(%dma_start3A_31 : memref<16xi32, #tpu.memory_space<vmem>>) semaphore(%arg11 : memref<!tpu.dma_semaphore, #tpu.memory_space<semaphore_mem>>)
    %scan3A = arith.constant 0 : i32
    %scan3A_35 = arith.constant 0 : i32
    %scan3A_36 = arith.constant 10 : i32
    %scan3A_37 = arith.addi %scan3A_35, %scan3A_36 : i32
    %scan3A_38 = arith.constant 1 : i32
    scf.for %scan3A_65 = %scan3A_35 to %scan3A_37 step %scan3A_38  : i32 {
      %mul3A_66 = arith.constant 3 : i32
      %mul3A_67 = arith.muli %mul3A_66, %scan3A_65 : i32
      %add3A_68 = arith.constant 1 : i32
      %add3A_69 = arith.addi %mul3A_67, %add3A_68 : i32
      %add3A_70 = arith.constant 0 : i32
      %add3A_71 = arith.addi %add3A_69, %add3A_70 : i32
      %dma_wait3A_72 = arith.constant 0 : i32
      %dma_wait3A_73 = arith.constant 0 : i32
      %dma_wait3A_74 = tpu.memref_slice %arg5[%dma_wait3A_72, %dma_wait3A_73] : memref<32x16xi32, #tpu.memory_space<vmem>> -> memref<1x16xi32, #tpu.memory_space<vmem>>
      %dma_wait3A_75 = tpu.memref_squeeze %dma_wait3A_74 : memref<1x16xi32, #tpu.memory_space<vmem>> -> memref<16xi32, #tpu.memory_space<vmem>>
      %dma_wait3A_76 = arith.constant 0 : i32
      %dma_wait3A_77 = arith.constant 0 : i32
      %dma_wait3A_78 = tpu.memref_slice %arg3[%dma_wait3A_76, %dma_wait3A_77] : memref<128256x2048xf32, #tpu.memory_space<hbm>> -> memref<128256x2048xf32, #tpu.memory_space<hbm>>
      tpu.wait_indirect_dma semaphore(%arg10 : memref<!tpu.dma_semaphore, #tpu.memory_space<semaphore_mem>>) src(%dma_wait3A_78 : memref<128256x2048xf32, #tpu.memory_space<hbm>>) dst(%arg7 : memref<16x2048xf32, #tpu.memory_space<vmem>>)
      %mul3A_79 = arith.constant 16 : i32
      %mul3A_80 = arith.muli %add3A_71, %mul3A_79 : i32
      %add3A_81 = arith.addi %mul3A_2, %mul3A_80 : i32
      %dma_start3A_82 = arith.constant 0 : i32
      %dma_start3A_83 = tpu.memref_slice %arg4[%add3A_81, %dma_start3A_82] : memref<16384x2048xf32, #tpu.memory_space<hbm>> -> memref<16x2048xf32, #tpu.memory_space<hbm>>
      %dma_start3A_84 = arith.constant 0 : i32
      %dma_start3A_85 = tpu.memref_slice %arg4[%add3A_81, %dma_start3A_84] : memref<16384x2048xf32, #tpu.memory_space<hbm>> -> memref<16x2048xf32, #tpu.memory_space<hbm>>
      tpu.enqueue_dma source(%arg7 : memref<16x2048xf32, #tpu.memory_space<vmem>>) target(%dma_start3A_85 : memref<16x2048xf32, #tpu.memory_space<hbm>>) target_semaphore(%arg13 : memref<!tpu.dma_semaphore, #tpu.memory_space<semaphore_mem>>)
      %add3A_86 = arith.constant 2 : i32
      %add3A_87 = arith.addi %add3A_71, %add3A_86 : i32
      %lt3A = arith.constant 32 : i32
      %lt3A_88 = arith.cmpi slt, %add3A_87, %lt3A : i32
      %convert_element_type3A = arith.extui %lt3A_88 : i1 to i32
      %cond3A = arith.constant 0 : i32
      %cond3A_89 = arith.cmpi ne, %convert_element_type3A, %cond3A : i32
      scf.if %cond3A_89 {
        %dma_wait3A_144 = arith.constant 0 : i32
        %dma_wait3A_145 = tpu.memref_slice %arg4[%mul3A_2, %dma_wait3A_144] : memref<16384x2048xf32, #tpu.memory_space<hbm>> -> memref<16x2048xf32, #tpu.memory_space<hbm>>
        %dma_wait3A_146 = arith.constant 0 : i32
        %dma_wait3A_147 = tpu.memref_slice %arg4[%mul3A_2, %dma_wait3A_146] : memref<16384x2048xf32, #tpu.memory_space<hbm>> -> memref<16x2048xf32, #tpu.memory_space<hbm>>
        tpu.wait_dma2 semaphore(%arg12 : memref<!tpu.dma_semaphore, #tpu.memory_space<semaphore_mem>>) src(%arg6 : memref<16x2048xf32, #tpu.memory_space<vmem>>) dst(%dma_wait3A_147 : memref<16x2048xf32, #tpu.memory_space<hbm>>)
        %add3A_148 = arith.constant 2 : i32
        %add3A_149 = arith.addi %add3A_71, %add3A_148 : i32
        %dma_start3A_150 = arith.constant 0 : i32
        %dma_start3A_151 = tpu.memref_slice %arg5[%add3A_149, %dma_start3A_150] : memref<32x16xi32, #tpu.memory_space<vmem>> -> memref<1x16xi32, #tpu.memory_space<vmem>>
        %dma_start3A_152 = tpu.memref_squeeze %dma_start3A_151 : memref<1x16xi32, #tpu.memory_space<vmem>> -> memref<16xi32, #tpu.memory_space<vmem>>
        %dma_start3A_153 = arith.constant 0 : i32
        %dma_start3A_154 = arith.constant 0 : i32
        %dma_start3A_155 = tpu.memref_slice %arg3[%dma_start3A_153, %dma_start3A_154] : memref<128256x2048xf32, #tpu.memory_space<hbm>> -> memref<128256x2048xf32, #tpu.memory_space<hbm>>
        tpu.enqueue_indirect_dma source(%dma_start3A_155 : memref<128256x2048xf32, #tpu.memory_space<hbm>>) target(%arg6 : memref<16x2048xf32, #tpu.memory_space<vmem>>) offsets(%dma_start3A_152 : memref<16xi32, #tpu.memory_space<vmem>>) semaphore(%arg9 : memref<!tpu.dma_semaphore, #tpu.memory_space<semaphore_mem>>)
      } else {
      }
      %mul3A_90 = arith.constant 3 : i32
      %mul3A_91 = arith.muli %mul3A_90, %scan3A_65 : i32
      %add3A_92 = arith.constant 1 : i32
      %add3A_93 = arith.addi %mul3A_91, %add3A_92 : i32
      %add3A_94 = arith.constant 1 : i32
      %add3A_95 = arith.addi %add3A_93, %add3A_94 : i32
      %dma_wait3A_96 = arith.constant 0 : i32
      %dma_wait3A_97 = arith.constant 0 : i32
      %dma_wait3A_98 = tpu.memref_slice %arg5[%dma_wait3A_96, %dma_wait3A_97] : memref<32x16xi32, #tpu.memory_space<vmem>> -> memref<1x16xi32, #tpu.memory_space<vmem>>
      %dma_wait3A_99 = tpu.memref_squeeze %dma_wait3A_98 : memref<1x16xi32, #tpu.memory_space<vmem>> -> memref<16xi32, #tpu.memory_space<vmem>>
      %dma_wait3A_100 = arith.constant 0 : i32
      %dma_wait3A_101 = arith.constant 0 : i32
      %dma_wait3A_102 = tpu.memref_slice %arg3[%dma_wait3A_100, %dma_wait3A_101] : memref<128256x2048xf32, #tpu.memory_space<hbm>> -> memref<128256x2048xf32, #tpu.memory_space<hbm>>
      tpu.wait_indirect_dma semaphore(%arg11 : memref<!tpu.dma_semaphore, #tpu.memory_space<semaphore_mem>>) src(%dma_wait3A_102 : memref<128256x2048xf32, #tpu.memory_space<hbm>>) dst(%arg8 : memref<16x2048xf32, #tpu.memory_space<vmem>>)
      %mul3A_103 = arith.constant 16 : i32
      %mul3A_104 = arith.muli %add3A_95, %mul3A_103 : i32
      %add3A_105 = arith.addi %mul3A_2, %mul3A_104 : i32
      %dma_start3A_106 = arith.constant 0 : i32
      %dma_start3A_107 = tpu.memref_slice %arg4[%add3A_105, %dma_start3A_106] : memref<16384x2048xf32, #tpu.memory_space<hbm>> -> memref<16x2048xf32, #tpu.memory_space<hbm>>
      %dma_start3A_108 = arith.constant 0 : i32
      %dma_start3A_109 = tpu.memref_slice %arg4[%add3A_105, %dma_start3A_108] : memref<16384x2048xf32, #tpu.memory_space<hbm>> -> memref<16x2048xf32, #tpu.memory_space<hbm>>
      tpu.enqueue_dma source(%arg8 : memref<16x2048xf32, #tpu.memory_space<vmem>>) target(%dma_start3A_109 : memref<16x2048xf32, #tpu.memory_space<hbm>>) target_semaphore(%arg14 : memref<!tpu.dma_semaphore, #tpu.memory_space<semaphore_mem>>)
      %add3A_110 = arith.constant 2 : i32
      %add3A_111 = arith.addi %add3A_95, %add3A_110 : i32
      %lt3A_112 = arith.constant 32 : i32
      %lt3A_113 = arith.cmpi slt, %add3A_111, %lt3A_112 : i32
      %convert_element_type3A_114 = arith.extui %lt3A_113 : i1 to i32
      %cond3A_115 = arith.constant 0 : i32
      %cond3A_116 = arith.cmpi ne, %convert_element_type3A_114, %cond3A_115 : i32
      scf.if %cond3A_116 {
        %dma_wait3A_144 = arith.constant 0 : i32
        %dma_wait3A_145 = tpu.memref_slice %arg4[%mul3A_2, %dma_wait3A_144] : memref<16384x2048xf32, #tpu.memory_space<hbm>> -> memref<16x2048xf32, #tpu.memory_space<hbm>>
        %dma_wait3A_146 = arith.constant 0 : i32
        %dma_wait3A_147 = tpu.memref_slice %arg4[%mul3A_2, %dma_wait3A_146] : memref<16384x2048xf32, #tpu.memory_space<hbm>> -> memref<16x2048xf32, #tpu.memory_space<hbm>>
        tpu.wait_dma2 semaphore(%arg13 : memref<!tpu.dma_semaphore, #tpu.memory_space<semaphore_mem>>) src(%arg7 : memref<16x2048xf32, #tpu.memory_space<vmem>>) dst(%dma_wait3A_147 : memref<16x2048xf32, #tpu.memory_space<hbm>>)
        %add3A_148 = arith.constant 2 : i32
        %add3A_149 = arith.addi %add3A_95, %add3A_148 : i32
        %dma_start3A_150 = arith.constant 0 : i32
        %dma_start3A_151 = tpu.memref_slice %arg5[%add3A_149, %dma_start3A_150] : memref<32x16xi32, #tpu.memory_space<vmem>> -> memref<1x16xi32, #tpu.memory_space<vmem>>
        %dma_start3A_152 = tpu.memref_squeeze %dma_start3A_151 : memref<1x16xi32, #tpu.memory_space<vmem>> -> memref<16xi32, #tpu.memory_space<vmem>>
        %dma_start3A_153 = arith.constant 0 : i32
        %dma_start3A_154 = arith.constant 0 : i32
        %dma_start3A_155 = tpu.memref_slice %arg3[%dma_start3A_153, %dma_start3A_154] : memref<128256x2048xf32, #tpu.memory_space<hbm>> -> memref<128256x2048xf32, #tpu.memory_space<hbm>>
        tpu.enqueue_indirect_dma source(%dma_start3A_155 : memref<128256x2048xf32, #tpu.memory_space<hbm>>) target(%arg7 : memref<16x2048xf32, #tpu.memory_space<vmem>>) offsets(%dma_start3A_152 : memref<16xi32, #tpu.memory_space<vmem>>) semaphore(%arg10 : memref<!tpu.dma_semaphore, #tpu.memory_space<semaphore_mem>>)
      } else {
      }
      %mul3A_117 = arith.constant 3 : i32
      %mul3A_118 = arith.muli %mul3A_117, %scan3A_65 : i32
      %add3A_119 = arith.constant 1 : i32
      %add3A_120 = arith.addi %mul3A_118, %add3A_119 : i32
      %add3A_121 = arith.constant 2 : i32
      %add3A_122 = arith.addi %add3A_120, %add3A_121 : i32
      %dma_wait3A_123 = arith.constant 0 : i32
      %dma_wait3A_124 = arith.constant 0 : i32
      %dma_wait3A_125 = tpu.memref_slice %arg5[%dma_wait3A_123, %dma_wait3A_124] : memref<32x16xi32, #tpu.memory_space<vmem>> -> memref<1x16xi32, #tpu.memory_space<vmem>>
      %dma_wait3A_126 = tpu.memref_squeeze %dma_wait3A_125 : memref<1x16xi32, #tpu.memory_space<vmem>> -> memref<16xi32, #tpu.memory_space<vmem>>
      %dma_wait3A_127 = arith.constant 0 : i32
      %dma_wait3A_128 = arith.constant 0 : i32
      %dma_wait3A_129 = tpu.memref_slice %arg3[%dma_wait3A_127, %dma_wait3A_128] : memref<128256x2048xf32, #tpu.memory_space<hbm>> -> memref<128256x2048xf32, #tpu.memory_space<hbm>>
      tpu.wait_indirect_dma semaphore(%arg9 : memref<!tpu.dma_semaphore, #tpu.memory_space<semaphore_mem>>) src(%dma_wait3A_129 : memref<128256x2048xf32, #tpu.memory_space<hbm>>) dst(%arg6 : memref<16x2048xf32, #tpu.memory_space<vmem>>)
      %mul3A_130 = arith.constant 16 : i32
      %mul3A_131 = arith.muli %add3A_122, %mul3A_130 : i32
      %add3A_132 = arith.addi %mul3A_2, %mul3A_131 : i32
      %dma_start3A_133 = arith.constant 0 : i32
      %dma_start3A_134 = tpu.memref_slice %arg4[%add3A_132, %dma_start3A_133] : memref<16384x2048xf32, #tpu.memory_space<hbm>> -> memref<16x2048xf32, #tpu.memory_space<hbm>>
      %dma_start3A_135 = arith.constant 0 : i32
      %dma_start3A_136 = tpu.memref_slice %arg4[%add3A_132, %dma_start3A_135] : memref<16384x2048xf32, #tpu.memory_space<hbm>> -> memref<16x2048xf32, #tpu.memory_space<hbm>>
      tpu.enqueue_dma source(%arg6 : memref<16x2048xf32, #tpu.memory_space<vmem>>) target(%dma_start3A_136 : memref<16x2048xf32, #tpu.memory_space<hbm>>) target_semaphore(%arg12 : memref<!tpu.dma_semaphore, #tpu.memory_space<semaphore_mem>>)
      %add3A_137 = arith.constant 2 : i32
      %add3A_138 = arith.addi %add3A_122, %add3A_137 : i32
      %lt3A_139 = arith.constant 32 : i32
      %lt3A_140 = arith.cmpi slt, %add3A_138, %lt3A_139 : i32
      %convert_element_type3A_141 = arith.extui %lt3A_140 : i1 to i32
      %cond3A_142 = arith.constant 0 : i32
      %cond3A_143 = arith.cmpi ne, %convert_element_type3A_141, %cond3A_142 : i32
      scf.if %cond3A_143 {
        %dma_wait3A_144 = arith.constant 0 : i32
        %dma_wait3A_145 = tpu.memref_slice %arg4[%mul3A_2, %dma_wait3A_144] : memref<16384x2048xf32, #tpu.memory_space<hbm>> -> memref<16x2048xf32, #tpu.memory_space<hbm>>
        %dma_wait3A_146 = arith.constant 0 : i32
        %dma_wait3A_147 = tpu.memref_slice %arg4[%mul3A_2, %dma_wait3A_146] : memref<16384x2048xf32, #tpu.memory_space<hbm>> -> memref<16x2048xf32, #tpu.memory_space<hbm>>
        tpu.wait_dma2 semaphore(%arg14 : memref<!tpu.dma_semaphore, #tpu.memory_space<semaphore_mem>>) src(%arg8 : memref<16x2048xf32, #tpu.memory_space<vmem>>) dst(%dma_wait3A_147 : memref<16x2048xf32, #tpu.memory_space<hbm>>)
        %add3A_148 = arith.constant 2 : i32
        %add3A_149 = arith.addi %add3A_122, %add3A_148 : i32
        %dma_start3A_150 = arith.constant 0 : i32
        %dma_start3A_151 = tpu.memref_slice %arg5[%add3A_149, %dma_start3A_150] : memref<32x16xi32, #tpu.memory_space<vmem>> -> memref<1x16xi32, #tpu.memory_space<vmem>>
        %dma_start3A_152 = tpu.memref_squeeze %dma_start3A_151 : memref<1x16xi32, #tpu.memory_space<vmem>> -> memref<16xi32, #tpu.memory_space<vmem>>
        %dma_start3A_153 = arith.constant 0 : i32
        %dma_start3A_154 = arith.constant 0 : i32
        %dma_start3A_155 = tpu.memref_slice %arg3[%dma_start3A_153, %dma_start3A_154] : memref<128256x2048xf32, #tpu.memory_space<hbm>> -> memref<128256x2048xf32, #tpu.memory_space<hbm>>
        tpu.enqueue_indirect_dma source(%dma_start3A_155 : memref<128256x2048xf32, #tpu.memory_space<hbm>>) target(%arg8 : memref<16x2048xf32, #tpu.memory_space<vmem>>) offsets(%dma_start3A_152 : memref<16xi32, #tpu.memory_space<vmem>>) semaphore(%arg11 : memref<!tpu.dma_semaphore, #tpu.memory_space<semaphore_mem>>)
      } else {
      }
    }
    %scan3A_39 = arith.constant 10 : i32
    %dma_wait3A_40 = arith.constant 0 : i32
    %dma_wait3A_41 = arith.constant 0 : i32
    %dma_wait3A_42 = tpu.memref_slice %arg5[%dma_wait3A_40, %dma_wait3A_41] : memref<32x16xi32, #tpu.memory_space<vmem>> -> memref<1x16xi32, #tpu.memory_space<vmem>>
    %dma_wait3A_43 = tpu.memref_squeeze %dma_wait3A_42 : memref<1x16xi32, #tpu.memory_space<vmem>> -> memref<16xi32, #tpu.memory_space<vmem>>
    %dma_wait3A_44 = arith.constant 0 : i32
    %dma_wait3A_45 = arith.constant 0 : i32
    %dma_wait3A_46 = tpu.memref_slice %arg3[%dma_wait3A_44, %dma_wait3A_45] : memref<128256x2048xf32, #tpu.memory_space<hbm>> -> memref<128256x2048xf32, #tpu.memory_space<hbm>>
    tpu.wait_indirect_dma semaphore(%arg10 : memref<!tpu.dma_semaphore, #tpu.memory_space<semaphore_mem>>) src(%dma_wait3A_46 : memref<128256x2048xf32, #tpu.memory_space<hbm>>) dst(%arg7 : memref<16x2048xf32, #tpu.memory_space<vmem>>)
    %add3A_47 = arith.constant 496 : i32
    %add3A_48 = arith.addi %mul3A_2, %add3A_47 : i32
    %dma_start3A_49 = arith.constant 0 : i32
    %dma_start3A_50 = tpu.memref_slice %arg4[%add3A_48, %dma_start3A_49] : memref<16384x2048xf32, #tpu.memory_space<hbm>> -> memref<16x2048xf32, #tpu.memory_space<hbm>>
    %dma_start3A_51 = arith.constant 0 : i32
    %dma_start3A_52 = tpu.memref_slice %arg4[%add3A_48, %dma_start3A_51] : memref<16384x2048xf32, #tpu.memory_space<hbm>> -> memref<16x2048xf32, #tpu.memory_space<hbm>>
    tpu.enqueue_dma source(%arg7 : memref<16x2048xf32, #tpu.memory_space<vmem>>) target(%dma_start3A_52 : memref<16x2048xf32, #tpu.memory_space<hbm>>) target_semaphore(%arg13 : memref<!tpu.dma_semaphore, #tpu.memory_space<semaphore_mem>>)
    %dma_wait3A_53 = arith.constant 0 : i32
    %dma_wait3A_54 = tpu.memref_slice %arg4[%mul3A_2, %dma_wait3A_53] : memref<16384x2048xf32, #tpu.memory_space<hbm>> -> memref<16x2048xf32, #tpu.memory_space<hbm>>
    %dma_wait3A_55 = arith.constant 0 : i32
    %dma_wait3A_56 = tpu.memref_slice %arg4[%mul3A_2, %dma_wait3A_55] : memref<16384x2048xf32, #tpu.memory_space<hbm>> -> memref<16x2048xf32, #tpu.memory_space<hbm>>
    tpu.wait_dma2 semaphore(%arg14 : memref<!tpu.dma_semaphore, #tpu.memory_space<semaphore_mem>>) src(%arg8 : memref<16x2048xf32, #tpu.memory_space<vmem>>) dst(%dma_wait3A_56 : memref<16x2048xf32, #tpu.memory_space<hbm>>)
    %dma_wait3A_57 = arith.constant 0 : i32
    %dma_wait3A_58 = tpu.memref_slice %arg4[%mul3A_2, %dma_wait3A_57] : memref<16384x2048xf32, #tpu.memory_space<hbm>> -> memref<16x2048xf32, #tpu.memory_space<hbm>>
    %dma_wait3A_59 = arith.constant 0 : i32
    %dma_wait3A_60 = tpu.memref_slice %arg4[%mul3A_2, %dma_wait3A_59] : memref<16384x2048xf32, #tpu.memory_space<hbm>> -> memref<16x2048xf32, #tpu.memory_space<hbm>>
    tpu.wait_dma2 semaphore(%arg12 : memref<!tpu.dma_semaphore, #tpu.memory_space<semaphore_mem>>) src(%arg6 : memref<16x2048xf32, #tpu.memory_space<vmem>>) dst(%dma_wait3A_60 : memref<16x2048xf32, #tpu.memory_space<hbm>>)
    %dma_wait3A_61 = arith.constant 0 : i32
    %dma_wait3A_62 = tpu.memref_slice %arg4[%mul3A_2, %dma_wait3A_61] : memref<16384x2048xf32, #tpu.memory_space<hbm>> -> memref<16x2048xf32, #tpu.memory_space<hbm>>
    %dma_wait3A_63 = arith.constant 0 : i32
    %dma_wait3A_64 = tpu.memref_slice %arg4[%mul3A_2, %dma_wait3A_63] : memref<16384x2048xf32, #tpu.memory_space<hbm>> -> memref<16x2048xf32, #tpu.memory_space<hbm>>
    tpu.wait_dma2 semaphore(%arg13 : memref<!tpu.dma_semaphore, #tpu.memory_space<semaphore_mem>>) src(%arg7 : memref<16x2048xf32, #tpu.memory_space<vmem>>) dst(%dma_wait3A_64 : memref<16x2048xf32, #tpu.memory_space<hbm>>)
    return
  }
}

</mosaic_0001>

<sc_bundles>
// kernel: kernel.3.cloned.1.call-start
scs
__scs_entry_jumppad:
0x0: {  	(pc) =	sbr.rel $0x88, $3  }
0x1: {  	(tag) =	ssettag $0x0;
	lr =	simm.s32 $0x1  }
0x2: {  	[smem:$0x3F9F] =	sst lr;
	_ =	strace $0xD0000000  }
0x3: {  	_ = 	snop  }
0x4: {  	_ = 	snop  }
0x5: {  	_ = 	snop  }
0x6: {  	_ = 	snop  }
0x7: {  	_ = 	snop  }
__scs_overlays_trampoline_lowered:
0x8: {  	[smem:$0x3FAE] =	sst s0  }
0x9: {  	[smem:$0x3FAF] =	sst s1  }
0xa: {  	[smem:$0x3FB0] =	sst s2  }
0xb: {  	[smem:$0x3FB1] =	sst s3  }
0xc: {  	[smem:$0x3FB2] =	sst s4  }
0xd: {  	[smem:$0x3FB3] =	sst s5  }
0xe: {  	[smem:$0x3FB4] =	sst s6  }
0xf: {  	[smem:$0x3FB5] =	sst s7  }
0x10: {  	[smem:$0x3FB6] =	sst s8  }
0x11: {  	[smem:$0x3FB7] =	sst s9;
	s0 =	simm.s32 @!p0 $0x0  }
0x12: {  	s1 =	sld [smem:$0x3F9D];
	s0 =	simm.s32 @p0 $0x1  }
0x13: {  	[smem:$0x3FB8] =	sst s0;
	s0 =	simm.s32 @!p1 $0x0  }
0x14: {  	s2 =	sld [smem:$0x3F9C];
	s0 =	simm.s32 @p1 $0x1  }
0x15: {  	[smem:$0x3FB9] =	sst s0;
	s0 =	simm.s32 @!p2 $0x0  }
0x16: {  	s3 =	sld [smem:$0x3FDB];
	s0 =	simm.s32 @p2 $0x1  }
0x17: {  	s4 =	simm.s32 $0x1BF5;
	[smem:$0x3FBB] =	sst s0  }
0x18: {  	s0 =	sld [smem:$0x3F9E];
	_ =	swait.ge [sflag:s4], $0x0  }
0x19: {  	s7 =	sld [smem:$0x3F9F]  }
0x1a: {  	s8 =	sadd.s32 $0xFFFFE003, lr  }
0x1b: {  	s9 =	sadd.s32 $0xFFFFFEF7, lr;
	s5 =	simm.s32 $0xFFFFFFFF;
	p2 =	slt.u32 s8, $0xFFFFF086  }
0x1c: {  	p1 =	slt.u32 s9, $0xF7A;
	s5 =	simm.s32 @!p2 $0x0  }
0x1d: {  	s5 =	simm.s32 @p1 $0x1;
	p0 =	seq.s32 s7, s2  }
0x1e: {  	s7 =	smul.u32 @!p0 $0xF7A, s2;
	p2 =	seq.s32 @!p0 s5, $0x0  }
0x1f: {  	s9 =	smul.u32 $0xF7A, s1;
	s8 =	simm.s32 @!p0 $0x1BF5;
	p2 =	por !p2, p0  }
0x20: {  	[sflag:s8] =	ssyncset.s32 @!p0 $0xFFFFF086;
	s6 =	sadd.s32 @!p0 s3, s7;
	s7 =	simm.s32 @!p0 $0x108  }
0x21: {  	s3 =	sadd.s32 s3, s9;
	s6 =	sadd.s32 @!p0 $0x88, s6;
	s7 =	simm.s32 @p2 $0x1082  }
0x22: {  	[simem:s7], [sflag:s8] =	dma.local @!p0 [hbm:s6], $0xF7A  }
0x23: {  	s9 =	sor.u32 $0xD0000000, s2;
	s6 =	simm.s32 $0x108;
	_ =	swait.ge @!p0 [sflag:s8], $0x0  }
0x24: {  	s3 =	sadd.s32 $0x88, s3;
	s6 =	simm.s32 @!p1 $0x1082;
	[sflag:s4] =	ssyncset.s32 $0xFFFFF086  }
0x25: {  	[simem:s6], [sflag:s4] =	dma.local [hbm:s3], $0xF7A  }
0x26: {  	[smem:$0x3F9F] =	sst s1;
	(tag) =	ssettag s2;
	_ =	strace s9  }
0x27: {  	s1 =	sld [smem:$0x3FAF]  }
0x28: {  	s2 =	sld [smem:$0x3FB0]  }
0x29: {  	s4 =	sld [smem:$0x3FB2]  }
0x2a: {  	p0 =	seq.s32 s5, $0x0;
	s5 =	sld [smem:$0x3FB3]  }
0x2b: {  	s6 =	sld [smem:$0x3FB4]  }
0x2c: {  	s7 =	sld [smem:$0x3FB5]  }
0x2d: {  	s3 =	simm.s32 $0x108;
	s8 =	sld [smem:$0x3FB6]  }
0x2e: {  	s3 =	simm.s32 @!p0 $0x1082;
	s9 =	sld [smem:$0x3FB7]  }
0x2f: {  	lr =	sadd.s32 s0, s3;
	s0 =	sld [smem:$0x3FAE]  }
0x30: {  	s3 =	sld [smem:$0x3FB1]  }
0x31: {  	[smem:$0x3FBA] =	sst s10  }
0x32: {  	s10 =	sld [smem:$0x3FB8];
	_ =	sdelay $0x3  }
0x33: {  	p0 =	seq.s32 s10, $0x1;
	s10 =	sld [smem:$0x3FBA];
	_ =	sdelay $0x3  }
0x34: {  	[smem:$0x3FBA] =	sst s10  }
0x35: {  	s10 =	sld [smem:$0x3FB9];
	_ =	sdelay $0x3  }
0x36: {  	p1 =	seq.s32 s10, $0x1;
	s10 =	sld [smem:$0x3FBA];
	_ =	sdelay $0x3  }
0x37: {  	[smem:$0x3FBA] =	sst s10  }
0x38: {  	s10 =	sld [smem:$0x3FBB]  }
0x39: {  	_ = 	snop;
	(pc) =	sbr.ind lr, $3  }
0x3a: {  	_ = 	snop  }
0x3b: {  	_ = 	snop  }
0x3c: {  	p2 =	seq.s32 s10, $0x1;
	s10 =	sld [smem:$0x3FBA]  }
0x3d: {  	_ =	shalt  }
0x3e: {  	_ =	shalt  }
0x3f: {  	_ =	shalt  }
0x40: {  	_ =	shalt  }
0x41: {  	_ =	shalt  }
0x42: {  	_ =	shalt  }
0x43: {  	_ =	shalt  }
0x44: {  	_ =	shalt  }
0x45: {  	_ =	shalt  }
0x46: {  	_ =	shalt  }
0x47: {  	_ =	shalt  }
0x48: {  	_ =	shalt  }
0x49: {  	_ =	shalt  }
0x4a: {  	_ =	shalt  }
0x4b: {  	_ =	shalt  }
0x4c: {  	_ =	shalt  }
0x4d: {  	_ =	shalt  }
0x4e: {  	_ =	shalt  }
0x4f: {  	_ =	shalt  }
0x50: {  	_ =	shalt  }
0x51: {  	_ =	shalt  }
0x52: {  	_ =	shalt  }
0x53: {  	_ =	shalt  }
0x54: {  	_ =	shalt  }
0x55: {  	_ =	shalt  }
0x56: {  	_ =	shalt  }
0x57: {  	_ =	shalt  }
0x58: {  	_ =	shalt  }
0x59: {  	_ =	shalt  }
0x5a: {  	_ =	shalt  }
0x5b: {  	_ =	shalt  }
0x5c: {  	_ =	shalt  }
0x5d: {  	_ =	shalt  }
0x5e: {  	_ =	shalt  }
0x5f: {  	_ =	shalt  }
0x60: {  	_ =	shalt  }
0x61: {  	_ =	shalt  }
0x62: {  	_ =	shalt  }
0x63: {  	_ =	shalt  }
0x64: {  	_ =	shalt  }
0x65: {  	_ =	shalt  }
0x66: {  	_ =	shalt  }
0x67: {  	_ =	shalt  }
0x68: {  	_ =	shalt  }
0x69: {  	_ =	shalt  }
0x6a: {  	_ =	shalt  }
0x6b: {  	_ =	shalt  }
0x6c: {  	_ =	shalt  }
0x6d: {  	_ =	shalt  }
0x6e: {  	_ =	shalt  }
0x6f: {  	_ =	shalt  }
0x70: {  	_ =	shalt  }
0x71: {  	_ =	shalt  }
0x72: {  	_ =	shalt  }
0x73: {  	_ =	shalt  }
0x74: {  	_ =	shalt  }
0x75: {  	_ =	shalt  }
0x76: {  	_ =	shalt  }
0x77: {  	_ =	shalt  }
0x78: {  	_ =	shalt  }
0x79: {  	_ =	shalt  }
0x7a: {  	_ =	shalt  }
0x7b: {  	_ =	shalt  }
0x7c: {  	_ =	shalt  }
0x7d: {  	_ =	shalt  }
0x7e: {  	_ =	shalt  }
0x7f: {  	_ =	shalt  }
0x80: {  	_ =	shalt  }
0x81: {  	_ =	shalt  }
0x82: {  	_ =	shalt  }
0x83: {  	_ =	shalt  }
0x84: {  	_ =	shalt  }
0x85: {  	_ =	shalt  }
0x86: {  	_ =	shalt  }
0x87: {  	_ =	shalt  }
.Lfunc_end0:
.L_simem_size_0:
called_computation_lowered:
.L_overlay_start_0:
0x88: {  	s2 =	sld [smem:$0x3FD9]  }
0x89: {  	s3 =	sld [smem:$0x3FFE];
	_ =	sdelay $0x1  }
0x8a: {  	s1 =	srdreg.scid  }
0x8b: {  	s0 =	sand.u32 $0x1, s1  }
0x8c: {  	s17 =	sshll.u32 s0, $0xA;
	s2 =	sadd.s32 s3, s2  }
0x8d: {  	s2 =	sadd.s32 s2, s17  }
0x8e: {  	[smem:$0x3FC6] =	sst s2  }
0x8f: {  	_ = 	snop  }
0x90: {  	s2 =	sld [smem:$0x3FC8]  }
0x91: {  	s18 =	sld [smem:$0x3FD0];
	(tm) =	ssettm $0x1  }
0x92: {  	s4 =	sld [smem:$0x3FFB];
	_ =	sdelay $0x3  }
0x93: {  	_ =	strace s4  }
0x94: {  	s4 =	sld [smem:$0x3FFC];
	_ =	sdelay $0x3  }
0x95: {  	_ =	strace s4  }
0x96: {  	s4 =	sld [smem:$0x3FFD];
	_ =	sdelay $0x3  }
0x97: {  	_ =	strace s4  }
0x98: {  	_ =	strace $0x8FFFFFFF  }
0x99: {  	s19 =	sld [smem:$0x3FDB];
	_ =	sdelay $0x1  }
0x9a: {  	s5 =	simm.s32 $_scs_section_size  }
0x9b: {  	s6 =	simm.s32 $_size__tile_overlayer_lowered;
	s7 =	simm.s32 $_tile_overlayer_lowered  }
0x9c: {  	s22 =	simm.s32 $0x1BFF;
	s21 =	sshll.u32 s7, $0x1;
	s4 =	sadd.s32 s5, s19  }
0x9d: {  	s8 =	simm.s32 $0x0;
	s20 =	sshll.u32 s6, $0x1;
	s6 =	sadd.s32 s21, s4  }
0x9e: {  	[timem:s8], [sflag:s22] =	dma.local [hbm:s6], s20  }
0x9f: {  	_ =	swait.ge [sflag:s22], s20  }
0xa0: {  	s5 =	ssub.s32 $0x0, s20;
	[sflag:s22] =	ssyncset.done $0x0  }
0xa1: {  	[sflag:s22] =	ssyncadd.s32 s5;
	_ =	sdelay $0x1  }
0xa2: {  	s23 =	simm.s32 $0x1B8B  }
0xa3: {  	_ =	swait.ge [sflag:s23], $0x1  }
0xa4: {  	[sflag:s23] =	ssyncset.done $0x0  }
0xa5: {  	s25 =	simm.s32 $0x1B8E;
	s24 =	sld [smem:$0x3FFE];
	[sflag:s23] =	ssyncadd.s32 $0xFFFFFFFF  }
0xa6: {  	s26 =	simm.s32 $execute0_lowered;
	[smem:$0x3FD2] =	sst s25  }
0xa7: {  	s6 =	sshll.u32 s26, $0x1;
	_ =	strace $0x80000046;
	[dreg:$0x1] =	wrdreg $0xFFFFFFFF  }
0xa8: {  	s28 =	simm.s32 $_size_execute0_lowered;
	s4 =	sadd.s32 s4, s6;
	[dreg:$0x0] =	wrdreg $0x0  }
0xa9: {  	s6 =	sshll.u32 s28, $0x1;
	[dreg:$0x2] =	wrdreg s4  }
0xaa: {  	[dreg:$0x3] =	wrdreg s6  }
0xab: {  	[dreg:$0x4] =	wrdreg $0xC0  }
0xac: {  	_ =	task [dreg:s8], $0x5FFFF  }
0xad: {  	[dreg:$0x1] =	wrdreg $0xFFFFFFFF  }
0xae: {  	[dreg:$0x0] =	wrdreg $0x60  }
0xaf: {  	[dreg:$0x2] =	wrdreg s24  }
0xb0: {  	[dreg:$0x3] =	wrdreg s2  }
0xb1: {  	[dreg:$0x4] =	wrdreg s18  }
0xb2: {  	[dreg:$0x5] =	wrdreg $0x9  }
0xb3: {  	_ =	task.clear_ibuf [dreg:s8], $0x6FFFF;
	_ =	strace $0x90000046  }
0xb4: {  	s29 =	simm.s32 $0x9;
	_ =	strace $0x80000048  }
0xb5: {  	_ =	swait.ge [sflag:s29], $0x1  }
0xb6: {  	[sflag:s29] =	ssyncadd.s32 $0xFFFFFFFF  }
0xb7: {  	_ =	strace $0x90000048  }
0xb8: {  	_ =	sfence  }
0xb9: {  	s30 =	sld [smem:$0x0];
	_ =	sdelay $0x2  }
0xba: {  	s31 =	sshll.u32 s1, $0xD;
	s1 =	sshrl.u32 s1, $0x2  }
0xbb: {  	s3 =	sand.u32 $0x4000, s31;
	s1 =	sadd.s32 s1, s30  }
0xbc: {  	s0 =	sor.u32 s3, s0;
	s1 =	sshll.u32 s1, $0x11  }
0xbd: {  	s0 =	sor.u32 s1, s0  }
0xbe: {  	s0 =	sadd.s32 $0x8F2B, s0  }
0xbf: {  	[sflag:s0] =	ssyncadd.remote.s32 $0x1  }
0xc0: {  	_ =	sfence.sel $0xFFFF  }
0xc1: {  	[dreg:$0x0] =	wrdreg $0xFFFFFFFF;
	(pc) =	sbr.abs _section_cstart, $3  }
0xc2: {  	[dreg:$0x1] =	wrdreg $0xFFFFFFFF  }
0xc3: {  	_ =	task.clear_ibuf [dreg:s8], $0x2FFFF;
	_ =	strace $0x9FFFFFFF  }
0xc4: {  	(tm) =	ssettm $0x7FFFFFFF  }
0xc5: {  	_ =	shalt  }
tec
execute0_lowered:
.L_overlay_start_1:
0x0: {  	(tag) =	ssettag $0x1  }
0x1: {  	s0 =	rddreg [dreg:$0x0]  }
0x2: {  	s2 =	rddreg [dreg:$0x1]  }
0x3: {  	s1 =	rddreg [dreg:$0x2];
	s3 =	srdreg.scid  }
0x4: {  	s13 =	stileid.u32;
	s17 =	simm.s32 $0x1000;
	s30 =	simm.s32 $0x1  }
0x5: {  	s31 =	simm.s32 $0x11000;
	s19 =	simm.s32 $0x15000;
	s20 =	simm.s32 $0x15800  }
0x6: {  	s21 =	simm.s32 $0x16000;
	s22 =	simm.s32 $0x16800;
	s23 =	simm.s32 $0x17800  }
0x7: {  	s24 =	simm.s32 $0x18800;
	s14 =	simm.s32 $0x3;
	s18 =	simm.s32 $0x0  }
0x8: {  	s4 =	sand.u32 $0x1, s3;
	s5 =	sshll.u32 s13, $0x1;
	s3 =	simm.s32 $0x0  }
0x9: {  	s8 =	sadd.s32 $0x400, s2;
	s10 =	sadd.s32 $0x600, s2;
	s12 =	sadd.s32 $0x700, s2  }
0xa: {  	s28 =	sshll.u32 s13, $0x12;
	s13 =	simm.s32 $0x2;
	s9 =	sor.u32 s4, s5  }
0xb: {  	s25 =	ssub.s32 $0x2, s4;
	[smem:$0x7FF] =	sst s3;
	s5 =	sadd.s32 $0x100, s2  }
0xc: {  	s29 =	sshll.u32 s4, $0x11;
	s4 =	simm.s32 $0x9000;
	s6 =	sshll.u32 s9, $0x9  }
0xd: {  	s7 =	sshrl.u32 s25, $0x1;
	_ =	strace $0x80000047;
	s26 =	sshll.u32 s9, $0x11  }
0xe: {  	s9 =	sadd.s32 $0x500, s2;
	s0 =	sadd.s32 s6, s0;
	s11 =	ssub.s32 s25, s7  }
0xf: {  	s6 =	sadd.s32 $0x200, s2;
	s7 =	sadd.s32 $0x300, s2;
	s0 =	sadd.s32 $0x400, s0  }
.Ltmp0:
0x10: {  	s11 =	smax.u32 s11, $0x1;
	[dreg:$0x4] =	wrdreg s0;
	(pc) =	sbr.rel .LBB2_1-.Ltmp0, $4  }
0x11: {  	s25 =	simm.s32 $0x4;
	s0 =	sadd.s32 s1, s26;
	[dreg:$0x7] =	wrdreg s11  }
0x12: {  	v2 =	vlaneseq.u32;
	s26 =	simm.s32 $0x5;
	[dreg:$0x5] =	wrdreg s0;
	s0 =	sadd.s32 $0x1F000, s0  }
0x13: {  	vm0 =	vmmov $0xffff;
	v1 =	vshrl.u32 v2, $0x3;
	s11 =	simm.s32 $0x6;
	[dreg:$0x6] =	wrdreg s0;
	s0 =	sadd.s32 s28, s1  }
0x14: {  	v0 =	vand.u32 $0x7, v2;
	v2 =	vor.u32 $0x8, v2;
	v1 =	vmul.u32 $0x8, v1;
	s1 =	simm.s32 $0x18000;
	s15 =	sadd.s32 s29, s0;
	s0 =	simm.s32 $0x17000  }
.LBB2_4:
0x15: {  	_ =	swait.ge [sflag:s13], $0x8000  }
0x16: {  	[sflag:s13] =	ssyncset.done $0x0  }
0x17: {  	s16 =	rddreg [dreg:$0x6];
	[sflag:s13] =	ssyncadd.s32 $0xFFFF8000  }
0x18: {  	[hbm4b:s16+s3] =	stream.linear.scatter [tilespmem:s4], [sflag:$0x5], $0x8000, $0x38;
	[tilespmem:$0x19000] =	vst v63  }
0x19: {  	_ =	swait.ge [sflag:s11], $0x8000  }
0x1a: {  	[sflag:s11] =	ssyncset.done $0x0  }
0x1b: {  	[sflag:s11] =	ssyncadd.s32 $0xFFFF8000  }
0x1c: {  	_ =	swait.ge [sflag:s25], $0x8000  }
0x1d: {  	[sflag:s25] =	ssyncset.done $0x0  }
0x1e: {  	[sflag:s25] =	ssyncadd.s32 $0xFFFF8000  }
0x1f: {  	_ =	swait.ge [sflag:s26], $0x8000  }
0x20: {  	s18 =	rddreg [dreg:$0x8]  }
0x21: {  	s29 =	rddreg [dreg:$0x7];
	s18 =	sadd.s32 $0x1, s18  }
0x22: {  	p0 =	sne.s32 s18, s29  }
.Ltmp1:
0x23: {  	_ = 	snop;
	(pc) =	sbr.rel @!p0 .LBB2_5-.Ltmp1, $3  }
0x24: {  	_ =	sdelay $0x1  }
0x25: {  	[sflag:s26] =	ssyncset.done $0x0  }
0x26: {  	[sflag:s26] =	ssyncadd.s32 $0xFFFF8000  }
.LBB2_1:
0x27: {  	[dreg:$0x8] =	wrdreg s18  }
0x28: {  	s16 =	rddreg [dreg:$0x4];
	s29 =	simm.s32 $0x7  }
0x29: {  	[tilespmem:s3], [sflag:$0x7] =	stream.linear.gather [hbm4b:s16+s3], $0x1000, $0x38;
	[tilespmem:$0x19000] =	vst v63  }
0x2a: {  	_ =	swait.ge [sflag:s29], $0x1000  }
0x2b: {  	[sflag:s29] =	ssyncset.done $0x0  }
0x2c: {  	[sflag:s29] =	ssyncadd.s32 $0xFFFFF000  }
0x2d: {  	v3 =	vld [tilespmem:$0x0];
	_ =	sdelay $0x4  }
0x2e: {  	v4 =	vshll.u32 v3, $0x4  }
0x2f: {  	v3 =	vand.u32 $0x7, v3;
	v4 =	vand.u32 $0xFFFFFF80, v4  }
0x30: {  	v3 =	vor.u32 v3, v4  }
0x31: {  	v4 =	vperm.xlane v3, v0;
	_ =	sdelay $0x1  }
0x32: {  	v4 =	vadd.s32 v1, v4;
	_ =	sdelay $0x4  }
0x33: {  	[tilespmem:s17], [sflag:$0x1] =	stream.indirect_vreg.gather [hbm4b:s2+s3], $0x80, v4, vm0, $0xb8;
	[tilespmem:$0x19000] =	vst v63  }
0x34: {  	s18 =	simm.s32 $0x1800  }
0x35: {  	[tilespmem:s18], [sflag:$0x1] =	stream.indirect_vreg.gather [hbm4b:s5+s3], $0x80, v4, vm0, $0xb8;
	[tilespmem:$0x19000] =	vst v63  }
0x36: {  	s29 =	simm.s32 $0x2000  }
0x37: {  	[tilespmem:s29], [sflag:$0x1] =	stream.indirect_vreg.gather [hbm4b:s6+s3], $0x80, v4, vm0, $0xb8;
	[tilespmem:$0x19000] =	vst v63  }
0x38: {  	s18 =	simm.s32 $0x2800  }
0x39: {  	[tilespmem:s18], [sflag:$0x1] =	stream.indirect_vreg.gather [hbm4b:s7+s3], $0x80, v4, vm0, $0xb8;
	[tilespmem:$0x19000] =	vst v63  }
0x3a: {  	s29 =	simm.s32 $0x3000  }
0x3b: {  	[tilespmem:s29], [sflag:$0x1] =	stream.indirect_vreg.gather [hbm4b:s8+s3], $0x80, v4, vm0, $0xb8;
	[tilespmem:$0x19000] =	vst v63  }
0x3c: {  	v3 =	vperm.xlane v3, v2;
	s18 =	simm.s32 $0x3800  }
0x3d: {  	[tilespmem:s18], [sflag:$0x1] =	stream.indirect_vreg.gather [hbm4b:s9+s3], $0x80, v4, vm0, $0xb8;
	[tilespmem:$0x19000] =	vst v63  }
0x3e: {  	v3 =	vadd.s32 v1, v3;
	s29 =	simm.s32 $0x4000  }
0x3f: {  	[tilespmem:s29], [sflag:$0x1] =	stream.indirect_vreg.gather [hbm4b:s10+s3], $0x80, v4, vm0, $0xb8;
	[tilespmem:$0x19000] =	vst v63  }
0x40: {  	s18 =	simm.s32 $0x4800  }
0x41: {  	[tilespmem:s18], [sflag:$0x1] =	stream.indirect_vreg.gather [hbm4b:s12+s3], $0x80, v4, vm0, $0xb8;
	[tilespmem:$0x19000] =	vst v63  }
0x42: {  	s29 =	simm.s32 $0x5000  }
0x43: {  	[tilespmem:s29], [sflag:$0x1] =	stream.indirect_vreg.gather [hbm4b:s2+s3], $0x80, v3, vm0, $0xb8;
	[tilespmem:$0x19000] =	vst v63  }
0x44: {  	s18 =	simm.s32 $0x5800  }
0x45: {  	[tilespmem:s18], [sflag:$0x1] =	stream.indirect_vreg.gather [hbm4b:s5+s3], $0x80, v3, vm0, $0xb8;
	[tilespmem:$0x19000] =	vst v63  }
0x46: {  	s29 =	simm.s32 $0x6000  }
0x47: {  	[tilespmem:s29], [sflag:$0x1] =	stream.indirect_vreg.gather [hbm4b:s6+s3], $0x80, v3, vm0, $0xb8;
	[tilespmem:$0x19000] =	vst v63  }
0x48: {  	s18 =	simm.s32 $0x6800  }
0x49: {  	[tilespmem:s18], [sflag:$0x1] =	stream.indirect_vreg.gather [hbm4b:s7+s3], $0x80, v3, vm0, $0xb8;
	[tilespmem:$0x19000] =	vst v63  }
0x4a: {  	s29 =	simm.s32 $0x7000  }
0x4b: {  	[tilespmem:s29], [sflag:$0x1] =	stream.indirect_vreg.gather [hbm4b:s8+s3], $0x80, v3, vm0, $0xb8;
	[tilespmem:$0x19000] =	vst v63  }
0x4c: {  	s18 =	simm.s32 $0x7800  }
0x4d: {  	[tilespmem:s18], [sflag:$0x1] =	stream.indirect_vreg.gather [hbm4b:s9+s3], $0x80, v3, vm0, $0xb8;
	[tilespmem:$0x19000] =	vst v63  }
0x4e: {  	s29 =	simm.s32 $0x8000  }
0x4f: {  	[tilespmem:s29], [sflag:$0x1] =	stream.indirect_vreg.gather [hbm4b:s10+s3], $0x80, v3, vm0, $0xb8;
	[tilespmem:$0x19000] =	vst v63  }
0x50: {  	s18 =	simm.s32 $0x8800  }
0x51: {  	[tilespmem:s18], [sflag:$0x1] =	stream.indirect_vreg.gather [hbm4b:s12+s3], $0x80, v3, vm0, $0xb8;
	[tilespmem:$0x19000] =	vst v63  }
0x52: {  	v3 =	vld [tilespmem:$0x80];
	_ =	sdelay $0x4  }
0x53: {  	v62 =	vshll.u32 v3, $0x4  }
0x54: {  	v3 =	vand.u32 $0x7, v3;
	v4 =	vand.u32 $0xFFFFFF80, v62  }
0x55: {  	v3 =	vor.u32 v3, v4  }
0x56: {  	v4 =	vperm.xlane v3, v0;
	_ =	sdelay $0x1  }
0x57: {  	v4 =	vadd.s32 v1, v4;
	_ =	sdelay $0x4  }
0x58: {  	[tilespmem:s4], [sflag:$0x2] =	stream.indirect_vreg.gather [hbm4b:s2+s3], $0x80, v4, vm0, $0xb8;
	[tilespmem:$0x19000] =	vst v63  }
0x59: {  	s29 =	simm.s32 $0x9800  }
0x5a: {  	[tilespmem:s29], [sflag:$0x2] =	stream.indirect_vreg.gather [hbm4b:s5+s3], $0x80, v4, vm0, $0xb8;
	[tilespmem:$0x19000] =	vst v63  }
0x5b: {  	s18 =	simm.s32 $0xA000  }
0x5c: {  	[tilespmem:s18], [sflag:$0x2] =	stream.indirect_vreg.gather [hbm4b:s6+s3], $0x80, v4, vm0, $0xb8;
	[tilespmem:$0x19000] =	vst v63  }
0x5d: {  	s29 =	simm.s32 $0xA800  }
0x5e: {  	[tilespmem:s29], [sflag:$0x2] =	stream.indirect_vreg.gather [hbm4b:s7+s3], $0x80, v4, vm0, $0xb8;
	[tilespmem:$0x19000] =	vst v63  }
0x5f: {  	s18 =	simm.s32 $0xB000  }
0x60: {  	[tilespmem:s18], [sflag:$0x2] =	stream.indirect_vreg.gather [hbm4b:s8+s3], $0x80, v4, vm0, $0xb8;
	[tilespmem:$0x19000] =	vst v63  }
0x61: {  	v3 =	vperm.xlane v3, v2;
	s29 =	simm.s32 $0xB800  }
0x62: {  	[tilespmem:s29], [sflag:$0x2] =	stream.indirect_vreg.gather [hbm4b:s9+s3], $0x80, v4, vm0, $0xb8;
	[tilespmem:$0x19000] =	vst v63  }
0x63: {  	v3 =	vadd.s32 v1, v3;
	s18 =	simm.s32 $0xC000  }
0x64: {  	[tilespmem:s18], [sflag:$0x2] =	stream.indirect_vreg.gather [hbm4b:s10+s3], $0x80, v4, vm0, $0xb8;
	[tilespmem:$0x19000] =	vst v63  }
0x65: {  	s29 =	simm.s32 $0xC800  }
0x66: {  	[tilespmem:s29], [sflag:$0x2] =	stream.indirect_vreg.gather [hbm4b:s12+s3], $0x80, v4, vm0, $0xb8;
	[tilespmem:$0x19000] =	vst v63  }
0x67: {  	s18 =	simm.s32 $0xD000  }
0x68: {  	[tilespmem:s18], [sflag:$0x2] =	stream.indirect_vreg.gather [hbm4b:s2+s3], $0x80, v3, vm0, $0xb8;
	[tilespmem:$0x19000] =	vst v63  }
0x69: {  	s29 =	simm.s32 $0xD800  }
0x6a: {  	[tilespmem:s29], [sflag:$0x2] =	stream.indirect_vreg.gather [hbm4b:s5+s3], $0x80, v3, vm0, $0xb8;
	[tilespmem:$0x19000] =	vst v63  }
0x6b: {  	s18 =	simm.s32 $0xE000  }
0x6c: {  	[tilespmem:s18], [sflag:$0x2] =	stream.indirect_vreg.gather [hbm4b:s6+s3], $0x80, v3, vm0, $0xb8;
	[tilespmem:$0x19000] =	vst v63  }
0x6d: {  	s29 =	simm.s32 $0xE800  }
0x6e: {  	[tilespmem:s29], [sflag:$0x2] =	stream.indirect_vreg.gather [hbm4b:s7+s3], $0x80, v3, vm0, $0xb8;
	[tilespmem:$0x19000] =	vst v63  }
0x6f: {  	s18 =	simm.s32 $0xF000  }
0x70: {  	[tilespmem:s18], [sflag:$0x2] =	stream.indirect_vreg.gather [hbm4b:s8+s3], $0x80, v3, vm0, $0xb8;
	[tilespmem:$0x19000] =	vst v63  }
0x71: {  	s29 =	simm.s32 $0xF800  }
0x72: {  	[tilespmem:s29], [sflag:$0x2] =	stream.indirect_vreg.gather [hbm4b:s9+s3], $0x80, v3, vm0, $0xb8;
	[tilespmem:$0x19000] =	vst v63  }
0x73: {  	s18 =	simm.s32 $0x10000  }
0x74: {  	[tilespmem:s18], [sflag:$0x2] =	stream.indirect_vreg.gather [hbm4b:s10+s3], $0x80, v3, vm0, $0xb8;
	[tilespmem:$0x19000] =	vst v63  }
0x75: {  	s29 =	simm.s32 $0x10800  }
0x76: {  	[tilespmem:s29], [sflag:$0x2] =	stream.indirect_vreg.gather [hbm4b:s12+s3], $0x80, v3, vm0, $0xb8;
	[tilespmem:$0x19000] =	vst v63  }
0x77: {  	_ =	swait.ge [sflag:s30], $0x8000  }
0x78: {  	[sflag:s30] =	ssyncset.done $0x0  }
0x79: {  	s18 =	rddreg [dreg:$0x5];
	[sflag:s30] =	ssyncadd.s32 $0xFFFF8000  }
0x7a: {  	[hbm4b:s18+s3] =	stream.linear.scatter [tilespmem:s17], [sflag:$0x4], $0x8000, $0x38;
	[tilespmem:$0x19000] =	vst v63  }
0x7b: {  	v3 =	vld [tilespmem:$0x100];
	_ =	sdelay $0x4  }
0x7c: {  	v63 =	vshll.u32 v3, $0x4  }
0x7d: {  	v3 =	vand.u32 $0x7, v3;
	v4 =	vand.u32 $0xFFFFFF80, v63  }
0x7e: {  	v3 =	vor.u32 v3, v4  }
0x7f: {  	v4 =	vperm.xlane v3, v0;
	_ =	sdelay $0x1  }
0x80: {  	v4 =	vadd.s32 v1, v4;
	_ =	sdelay $0x4  }
0x81: {  	[tilespmem:s31], [sflag:$0x3] =	stream.indirect_vreg.gather [hbm4b:s2+s3], $0x80, v4, vm0, $0xb8;
	[tilespmem:$0x19000] =	vst v63  }
0x82: {  	s29 =	simm.s32 $0x11800  }
0x83: {  	[tilespmem:s29], [sflag:$0x3] =	stream.indirect_vreg.gather [hbm4b:s5+s3], $0x80, v4, vm0, $0xb8;
	[tilespmem:$0x19000] =	vst v63  }
0x84: {  	s18 =	simm.s32 $0x12000  }
0x85: {  	[tilespmem:s18], [sflag:$0x3] =	stream.indirect_vreg.gather [hbm4b:s6+s3], $0x80, v4, vm0, $0xb8;
	[tilespmem:$0x19000] =	vst v63  }
0x86: {  	s29 =	simm.s32 $0x12800  }
0x87: {  	[tilespmem:s29], [sflag:$0x3] =	stream.indirect_vreg.gather [hbm4b:s7+s3], $0x80, v4, vm0, $0xb8;
	[tilespmem:$0x19000] =	vst v63  }
0x88: {  	s18 =	simm.s32 $0x13000  }
0x89: {  	[tilespmem:s18], [sflag:$0x3] =	stream.indirect_vreg.gather [hbm4b:s8+s3], $0x80, v4, vm0, $0xb8;
	[tilespmem:$0x19000] =	vst v63  }
0x8a: {  	v3 =	vperm.xlane v3, v2;
	s29 =	simm.s32 $0x13800  }
0x8b: {  	[tilespmem:s29], [sflag:$0x3] =	stream.indirect_vreg.gather [hbm4b:s9+s3], $0x80, v4, vm0, $0xb8;
	[tilespmem:$0x19000] =	vst v63  }
0x8c: {  	v3 =	vadd.s32 v1, v3;
	s18 =	simm.s32 $0x14000  }
0x8d: {  	[tilespmem:s18], [sflag:$0x3] =	stream.indirect_vreg.gather [hbm4b:s10+s3], $0x80, v4, vm0, $0xb8;
	[tilespmem:$0x19000] =	vst v63  }
0x8e: {  	s29 =	simm.s32 $0x14800  }
0x8f: {  	[tilespmem:s29], [sflag:$0x3] =	stream.indirect_vreg.gather [hbm4b:s12+s3], $0x80, v4, vm0, $0xb8;
	[tilespmem:$0x19000] =	vst v63  }
0x90: {  	_ = 	snop  }
0x91: {  	[tilespmem:s19], [sflag:$0x3] =	stream.indirect_vreg.gather [hbm4b:s2+s3], $0x80, v3, vm0, $0xb8;
	[tilespmem:$0x19000] =	vst v63  }
0x92: {  	_ = 	snop  }
0x93: {  	[tilespmem:s20], [sflag:$0x3] =	stream.indirect_vreg.gather [hbm4b:s5+s3], $0x80, v3, vm0, $0xb8;
	[tilespmem:$0x19000] =	vst v63  }
0x94: {  	_ = 	snop  }
0x95: {  	[tilespmem:s21], [sflag:$0x3] =	stream.indirect_vreg.gather [hbm4b:s6+s3], $0x80, v3, vm0, $0xb8;
	[tilespmem:$0x19000] =	vst v63  }
0x96: {  	_ = 	snop  }
0x97: {  	[tilespmem:s22], [sflag:$0x3] =	stream.indirect_vreg.gather [hbm4b:s7+s3], $0x80, v3, vm0, $0xb8;
	[tilespmem:$0x19000] =	vst v63  }
0x98: {  	_ = 	snop  }
0x99: {  	[tilespmem:s0], [sflag:$0x3] =	stream.indirect_vreg.gather [hbm4b:s8+s3], $0x80, v3, vm0, $0xb8;
	[tilespmem:$0x19000] =	vst v63  }
0x9a: {  	_ = 	snop  }
0x9b: {  	[tilespmem:s23], [sflag:$0x3] =	stream.indirect_vreg.gather [hbm4b:s9+s3], $0x80, v3, vm0, $0xb8;
	[tilespmem:$0x19000] =	vst v63  }
0x9c: {  	_ = 	snop  }
0x9d: {  	[tilespmem:s1], [sflag:$0x3] =	stream.indirect_vreg.gather [hbm4b:s10+s3], $0x80, v3, vm0, $0xb8;
	[tilespmem:$0x19000] =	vst v63  }
0x9e: {  	s28 =	simm.s32 $0x280;
	s16 =	simm.s32 $0x0  }
0x9f: {  	[tilespmem:s24], [sflag:$0x3] =	stream.indirect_vreg.gather [hbm4b:s12+s3], $0x80, v3, vm0, $0xb8;
	[tilespmem:$0x19000] =	vst v63  }
.LBB2_2:
0xa0: {  	_ =	swait.ge [sflag:s13], $0x8000  }
0xa1: {  	s29 =	sadd.s32 s16, s15;
	[sflag:s13] =	ssyncset.done $0x0  }
0xa2: {  	s18 =	sadd.s32 $0x1000, s29;
	[sflag:s13] =	ssyncadd.s32 $0xFFFF8000  }
0xa3: {  	[hbm4b:s18+s3] =	stream.linear.scatter [tilespmem:s4], [sflag:$0x5], $0x8000, $0x38;
	[tilespmem:$0x19000] =	vst v63  }
0xa4: {  	_ =	swait.ge [sflag:s25], $0x8000  }
0xa5: {  	[sflag:s25] =	ssyncset.done $0x0  }
0xa6: {  	[sflag:s25] =	ssyncadd.s32 $0xFFFF8000  }
0xa7: {  	v3 =	vld [tilespmem:s28+$0xFFFFFF00];
	_ =	sdelay $0x4  }
0xa8: {  	v4 =	vshll.u32 v3, $0x4  }
0xa9: {  	v3 =	vand.u32 $0x7, v3;
	v4 =	vand.u32 $0xFFFFFF80, v4  }
0xaa: {  	v3 =	vor.u32 v3, v4  }
0xab: {  	v4 =	vperm.xlane v3, v0;
	_ =	sdelay $0x1  }
0xac: {  	v4 =	vadd.s32 v1, v4;
	_ =	sdelay $0x4  }
0xad: {  	[tilespmem:s17], [sflag:$0x1] =	stream.indirect_vreg.gather [hbm4b:s2+s3], $0x80, v4, vm0, $0xb8;
	[tilespmem:$0x19000] =	vst v63  }
0xae: {  	s18 =	simm.s32 $0x1800  }
0xaf: {  	[tilespmem:s18], [sflag:$0x1] =	stream.indirect_vreg.gather [hbm4b:s5+s3], $0x80, v4, vm0, $0xb8;
	[tilespmem:$0x19000] =	vst v63  }
0xb0: {  	s18 =	simm.s32 $0x2000  }
0xb1: {  	[tilespmem:s18], [sflag:$0x1] =	stream.indirect_vreg.gather [hbm4b:s6+s3], $0x80, v4, vm0, $0xb8;
	[tilespmem:$0x19000] =	vst v63  }
0xb2: {  	s18 =	simm.s32 $0x2800  }
0xb3: {  	[tilespmem:s18], [sflag:$0x1] =	stream.indirect_vreg.gather [hbm4b:s7+s3], $0x80, v4, vm0, $0xb8;
	[tilespmem:$0x19000] =	vst v63  }
0xb4: {  	s18 =	simm.s32 $0x3000  }
0xb5: {  	[tilespmem:s18], [sflag:$0x1] =	stream.indirect_vreg.gather [hbm4b:s8+s3], $0x80, v4, vm0, $0xb8;
	[tilespmem:$0x19000] =	vst v63  }
0xb6: {  	v3 =	vperm.xlane v3, v2;
	s18 =	simm.s32 $0x3800  }
0xb7: {  	[tilespmem:s18], [sflag:$0x1] =	stream.indirect_vreg.gather [hbm4b:s9+s3], $0x80, v4, vm0, $0xb8;
	[tilespmem:$0x19000] =	vst v63  }
0xb8: {  	v3 =	vadd.s32 v1, v3;
	s18 =	simm.s32 $0x4000  }
0xb9: {  	[tilespmem:s18], [sflag:$0x1] =	stream.indirect_vreg.gather [hbm4b:s10+s3], $0x80, v4, vm0, $0xb8;
	[tilespmem:$0x19000] =	vst v63  }
0xba: {  	s18 =	simm.s32 $0x4800  }
0xbb: {  	[tilespmem:s18], [sflag:$0x1] =	stream.indirect_vreg.gather [hbm4b:s12+s3], $0x80, v4, vm0, $0xb8;
	[tilespmem:$0x19000] =	vst v63  }
0xbc: {  	s18 =	simm.s32 $0x5000  }
0xbd: {  	[tilespmem:s18], [sflag:$0x1] =	stream.indirect_vreg.gather [hbm4b:s2+s3], $0x80, v3, vm0, $0xb8;
	[tilespmem:$0x19000] =	vst v63  }
0xbe: {  	s18 =	simm.s32 $0x5800  }
0xbf: {  	[tilespmem:s18], [sflag:$0x1] =	stream.indirect_vreg.gather [hbm4b:s5+s3], $0x80, v3, vm0, $0xb8;
	[tilespmem:$0x19000] =	vst v63  }
0xc0: {  	s18 =	simm.s32 $0x6000  }
0xc1: {  	[tilespmem:s18], [sflag:$0x1] =	stream.indirect_vreg.gather [hbm4b:s6+s3], $0x80, v3, vm0, $0xb8;
	[tilespmem:$0x19000] =	vst v63  }
0xc2: {  	s18 =	simm.s32 $0x6800  }
0xc3: {  	[tilespmem:s18], [sflag:$0x1] =	stream.indirect_vreg.gather [hbm4b:s7+s3], $0x80, v3, vm0, $0xb8;
	[tilespmem:$0x19000] =	vst v63  }
0xc4: {  	s18 =	simm.s32 $0x7000  }
0xc5: {  	[tilespmem:s18], [sflag:$0x1] =	stream.indirect_vreg.gather [hbm4b:s8+s3], $0x80, v3, vm0, $0xb8;
	[tilespmem:$0x19000] =	vst v63  }
0xc6: {  	s18 =	simm.s32 $0x7800  }
0xc7: {  	[tilespmem:s18], [sflag:$0x1] =	stream.indirect_vreg.gather [hbm4b:s9+s3], $0x80, v3, vm0, $0xb8;
	[tilespmem:$0x19000] =	vst v63  }
0xc8: {  	s18 =	simm.s32 $0x8000  }
0xc9: {  	[tilespmem:s18], [sflag:$0x1] =	stream.indirect_vreg.gather [hbm4b:s10+s3], $0x80, v3, vm0, $0xb8;
	[tilespmem:$0x19000] =	vst v63  }
0xca: {  	s18 =	simm.s32 $0x8800  }
0xcb: {  	[tilespmem:s18], [sflag:$0x1] =	stream.indirect_vreg.gather [hbm4b:s12+s3], $0x80, v3, vm0, $0xb8;
	[tilespmem:$0x19000] =	vst v63  }
0xcc: {  	_ =	swait.ge [sflag:s14], $0x8000  }
0xcd: {  	[sflag:s14] =	ssyncset.done $0x0  }
0xce: {  	s18 =	sadd.s32 $0x2000, s29;
	[sflag:s14] =	ssyncadd.s32 $0xFFFF8000  }
0xcf: {  	[hbm4b:s18+s3] =	stream.linear.scatter [tilespmem:s31], [sflag:$0x6], $0x8000, $0x38;
	[tilespmem:$0x19000] =	vst v63  }
0xd0: {  	_ =	swait.ge [sflag:s26], $0x8000  }
0xd1: {  	[sflag:s26] =	ssyncset.done $0x0  }
0xd2: {  	[sflag:s26] =	ssyncadd.s32 $0xFFFF8000  }
0xd3: {  	v3 =	vld [tilespmem:s28+$0xFFFFFF80];
	_ =	sdelay $0x4  }
0xd4: {  	v63 =	vshll.u32 v3, $0x4  }
0xd5: {  	v3 =	vand.u32 $0x7, v3;
	v4 =	vand.u32 $0xFFFFFF80, v63  }
0xd6: {  	v3 =	vor.u32 v3, v4  }
0xd7: {  	v4 =	vperm.xlane v3, v0;
	_ =	sdelay $0x1  }
0xd8: {  	v4 =	vadd.s32 v1, v4;
	_ =	sdelay $0x4  }
0xd9: {  	[tilespmem:s4], [sflag:$0x2] =	stream.indirect_vreg.gather [hbm4b:s2+s3], $0x80, v4, vm0, $0xb8;
	[tilespmem:$0x19000] =	vst v63  }
0xda: {  	s18 =	simm.s32 $0x9800  }
0xdb: {  	[tilespmem:s18], [sflag:$0x2] =	stream.indirect_vreg.gather [hbm4b:s5+s3], $0x80, v4, vm0, $0xb8;
	[tilespmem:$0x19000] =	vst v63  }
0xdc: {  	s18 =	simm.s32 $0xA000  }
0xdd: {  	[tilespmem:s18], [sflag:$0x2] =	stream.indirect_vreg.gather [hbm4b:s6+s3], $0x80, v4, vm0, $0xb8;
	[tilespmem:$0x19000] =	vst v63  }
0xde: {  	s18 =	simm.s32 $0xA800  }
0xdf: {  	[tilespmem:s18], [sflag:$0x2] =	stream.indirect_vreg.gather [hbm4b:s7+s3], $0x80, v4, vm0, $0xb8;
	[tilespmem:$0x19000] =	vst v63  }
0xe0: {  	s18 =	simm.s32 $0xB000  }
0xe1: {  	[tilespmem:s18], [sflag:$0x2] =	stream.indirect_vreg.gather [hbm4b:s8+s3], $0x80, v4, vm0, $0xb8;
	[tilespmem:$0x19000] =	vst v63  }
0xe2: {  	v3 =	vperm.xlane v3, v2;
	s18 =	simm.s32 $0xB800  }
0xe3: {  	[tilespmem:s18], [sflag:$0x2] =	stream.indirect_vreg.gather [hbm4b:s9+s3], $0x80, v4, vm0, $0xb8;
	[tilespmem:$0x19000] =	vst v63  }
0xe4: {  	v3 =	vadd.s32 v1, v3;
	s18 =	simm.s32 $0xC000  }
0xe5: {  	[tilespmem:s18], [sflag:$0x2] =	stream.indirect_vreg.gather [hbm4b:s10+s3], $0x80, v4, vm0, $0xb8;
	[tilespmem:$0x19000] =	vst v63  }
0xe6: {  	s18 =	simm.s32 $0xC800  }
0xe7: {  	[tilespmem:s18], [sflag:$0x2] =	stream.indirect_vreg.gather [hbm4b:s12+s3], $0x80, v4, vm0, $0xb8;
	[tilespmem:$0x19000] =	vst v63  }
0xe8: {  	s18 =	simm.s32 $0xD000  }
0xe9: {  	[tilespmem:s18], [sflag:$0x2] =	stream.indirect_vreg.gather [hbm4b:s2+s3], $0x80, v3, vm0, $0xb8;
	[tilespmem:$0x19000] =	vst v63  }
0xea: {  	s18 =	simm.s32 $0xD800  }
0xeb: {  	[tilespmem:s18], [sflag:$0x2] =	stream.indirect_vreg.gather [hbm4b:s5+s3], $0x80, v3, vm0, $0xb8;
	[tilespmem:$0x19000] =	vst v63  }
0xec: {  	s18 =	simm.s32 $0xE000  }
0xed: {  	[tilespmem:s18], [sflag:$0x2] =	stream.indirect_vreg.gather [hbm4b:s6+s3], $0x80, v3, vm0, $0xb8;
	[tilespmem:$0x19000] =	vst v63  }
0xee: {  	s18 =	simm.s32 $0xE800  }
0xef: {  	[tilespmem:s18], [sflag:$0x2] =	stream.indirect_vreg.gather [hbm4b:s7+s3], $0x80, v3, vm0, $0xb8;
	[tilespmem:$0x19000] =	vst v63  }
0xf0: {  	s18 =	simm.s32 $0xF000  }
0xf1: {  	[tilespmem:s18], [sflag:$0x2] =	stream.indirect_vreg.gather [hbm4b:s8+s3], $0x80, v3, vm0, $0xb8;
	[tilespmem:$0x19000] =	vst v63  }
0xf2: {  	s18 =	simm.s32 $0xF800  }
0xf3: {  	[tilespmem:s18], [sflag:$0x2] =	stream.indirect_vreg.gather [hbm4b:s9+s3], $0x80, v3, vm0, $0xb8;
	[tilespmem:$0x19000] =	vst v63  }
0xf4: {  	s18 =	simm.s32 $0x10000  }
0xf5: {  	[tilespmem:s18], [sflag:$0x2] =	stream.indirect_vreg.gather [hbm4b:s10+s3], $0x80, v3, vm0, $0xb8;
	[tilespmem:$0x19000] =	vst v63  }
0xf6: {  	p0 =	seq.s32 s16, $0x1B000;
	s18 =	simm.s32 $0x10800  }
0xf7: {  	[tilespmem:s18], [sflag:$0x2] =	stream.indirect_vreg.gather [hbm4b:s12+s3], $0x80, v3, vm0, $0xb8;
	[tilespmem:$0x19000] =	vst v63  }
.Ltmp2:
0xf8: {  	_ = 	snop;
	(pc) =	sbr.rel @p0 .LBB2_4-.Ltmp2, $4  }
0xf9: {  	_ =	swait.ge [sflag:s30], $0x8000  }
0xfa: {  	[sflag:s30] =	ssyncset.done $0x0  }
0xfb: {  	s29 =	sadd.s32 $0x3000, s29;
	[sflag:s30] =	ssyncadd.s32 $0xFFFF8000  }
0xfc: {  	[hbm4b:s29+s3] =	stream.linear.scatter [tilespmem:s17], [sflag:$0x4], $0x8000, $0x38;
	[tilespmem:$0x19000] =	vst v63  }
0xfd: {  	_ =	swait.ge [sflag:s11], $0x8000  }
0xfe: {  	[sflag:s11] =	ssyncset.done $0x0  }
0xff: {  	[sflag:s11] =	ssyncadd.s32 $0xFFFF8000  }
0x100: {  	v3 =	vld [tilespmem:s28+$0x0];
	_ =	sdelay $0x4  }
0x101: {  	v4 =	vshll.u32 v3, $0x4  }
0x102: {  	v3 =	vand.u32 $0x7, v3;
	v4 =	vand.u32 $0xFFFFFF80, v4  }
0x103: {  	v3 =	vor.u32 v3, v4  }
0x104: {  	v4 =	vperm.xlane v3, v0;
	_ =	sdelay $0x1  }
0x105: {  	v4 =	vadd.s32 v1, v4;
	_ =	sdelay $0x4  }
0x106: {  	[tilespmem:s31], [sflag:$0x3] =	stream.indirect_vreg.gather [hbm4b:s2+s3], $0x80, v4, vm0, $0xb8;
	[tilespmem:$0x19000] =	vst v63  }
0x107: {  	s18 =	simm.s32 $0x11800  }
0x108: {  	[tilespmem:s18], [sflag:$0x3] =	stream.indirect_vreg.gather [hbm4b:s5+s3], $0x80, v4, vm0, $0xb8;
	[tilespmem:$0x19000] =	vst v63  }
0x109: {  	s29 =	simm.s32 $0x12000  }
0x10a: {  	[tilespmem:s29], [sflag:$0x3] =	stream.indirect_vreg.gather [hbm4b:s6+s3], $0x80, v4, vm0, $0xb8;
	[tilespmem:$0x19000] =	vst v63  }
0x10b: {  	s29 =	simm.s32 $0x12800  }
0x10c: {  	[tilespmem:s29], [sflag:$0x3] =	stream.indirect_vreg.gather [hbm4b:s7+s3], $0x80, v4, vm0, $0xb8;
	[tilespmem:$0x19000] =	vst v63  }
0x10d: {  	s29 =	simm.s32 $0x13000  }
0x10e: {  	[tilespmem:s29], [sflag:$0x3] =	stream.indirect_vreg.gather [hbm4b:s8+s3], $0x80, v4, vm0, $0xb8;
	[tilespmem:$0x19000] =	vst v63  }
0x10f: {  	v3 =	vperm.xlane v3, v2;
	s29 =	simm.s32 $0x13800  }
0x110: {  	[tilespmem:s29], [sflag:$0x3] =	stream.indirect_vreg.gather [hbm4b:s9+s3], $0x80, v4, vm0, $0xb8;
	[tilespmem:$0x19000] =	vst v63  }
0x111: {  	v3 =	vadd.s32 v1, v3;
	s29 =	simm.s32 $0x14000  }
0x112: {  	[tilespmem:s29], [sflag:$0x3] =	stream.indirect_vreg.gather [hbm4b:s10+s3], $0x80, v4, vm0, $0xb8;
	[tilespmem:$0x19000] =	vst v63  }
0x113: {  	s29 =	simm.s32 $0x14800  }
0x114: {  	[tilespmem:s29], [sflag:$0x3] =	stream.indirect_vreg.gather [hbm4b:s12+s3], $0x80, v4, vm0, $0xb8;
	[tilespmem:$0x19000] =	vst v63  }
0x115: {  	_ = 	snop  }
0x116: {  	[tilespmem:s19], [sflag:$0x3] =	stream.indirect_vreg.gather [hbm4b:s2+s3], $0x80, v3, vm0, $0xb8;
	[tilespmem:$0x19000] =	vst v63  }
0x117: {  	_ = 	snop  }
0x118: {  	[tilespmem:s20], [sflag:$0x3] =	stream.indirect_vreg.gather [hbm4b:s5+s3], $0x80, v3, vm0, $0xb8;
	[tilespmem:$0x19000] =	vst v63  }
0x119: {  	_ = 	snop  }
0x11a: {  	[tilespmem:s21], [sflag:$0x3] =	stream.indirect_vreg.gather [hbm4b:s6+s3], $0x80, v3, vm0, $0xb8;
	[tilespmem:$0x19000] =	vst v63  }
0x11b: {  	_ = 	snop  }
0x11c: {  	[tilespmem:s22], [sflag:$0x3] =	stream.indirect_vreg.gather [hbm4b:s7+s3], $0x80, v3, vm0, $0xb8;
	[tilespmem:$0x19000] =	vst v63  }
0x11d: {  	_ = 	snop  }
0x11e: {  	[tilespmem:s0], [sflag:$0x3] =	stream.indirect_vreg.gather [hbm4b:s8+s3], $0x80, v3, vm0, $0xb8;
	[tilespmem:$0x19000] =	vst v63  }
0x11f: {  	_ = 	snop  }
0x120: {  	[tilespmem:s23], [sflag:$0x3] =	stream.indirect_vreg.gather [hbm4b:s9+s3], $0x80, v3, vm0, $0xb8;
	[tilespmem:$0x19000] =	vst v63  }
.Ltmp3:
0x121: {  	_ = 	snop;
	(pc) =	sbr.rel .LBB2_2-.Ltmp3, $4  }
0x122: {  	_ = 	snop  }
0x123: {  	[tilespmem:s1], [sflag:$0x3] =	stream.indirect_vreg.gather [hbm4b:s10+s3], $0x80, v3, vm0, $0xb8;
	[tilespmem:$0x19000] =	vst v63  }
0x124: {  	s16 =	sadd.s32 $0x3000, s16;
	s28 =	sadd.s32 $0x180, s28  }
0x125: {  	[tilespmem:s24], [sflag:$0x3] =	stream.indirect_vreg.gather [hbm4b:s12+s3], $0x80, v3, vm0, $0xb8;
	[tilespmem:$0x19000] =	vst v63  }
.LBB2_5:
0x126: {  	_ =	sfence.sel $0x180000  }
0x127: {  	[bflag:$0x0] =	sbarrier.arrive $0xFFFF  }
0x128: {  	_ =	strace $0x90000047  }
0x129: {  	s0 =	stileid.u32;
	[bflag:$0x2] =	sbarrier.arrive $0xFFFF  }
0x12a: {  	p0 =	sne.s32 s0, $0x0;
	s0 =	rddreg [dreg:$0x3]  }
0x12b: {  	s0 =	sadd.s32 @!p0 $0x100000, s0  }
0x12c: {  	[sflag:s0] =	ssyncadd.tile.s32 @!p0 $0x1;
	_ =	shalt  }
.Lfunc_end2:
_tile_overlayer_lowered:
.L_overlay_start_2:
0x12d: {  	(tag) =	ssettag $0x2  }
0x12e: {  	s0 =	rddreg [dreg:$0x0];
	s2 =	stileid.u32  }
0x12f: {  	s1 =	rddreg [dreg:$0x1];
	p0 =	sne.s32 s2, $0x0  }
0x130: {  	s3 =	rddreg [dreg:$0x2];
	[bflag:$0x3] =	sbarrier.arrive $0xFFFF;
	s2 =	simm.s32 @!p0 $0x1C07  }
0x131: {  	[timem:s3], [sflag:s2] =	dma.local @!p0 [hbm:s0], s1  }
0x132: {  	s0 =	simm.s32 @!p0 $0x7  }
0x133: {  	_ =	swait.ge @!p0 [sflag:s0], s1  }
0x134: {  	s1 =	ssub.s32 @!p0 $0x0, s1;
	[sflag:s0] =	ssyncset.done @!p0 $0x0  }
0x135: {  	[sflag:s0] =	ssyncadd.s32 @!p0 s1  }
0x136: {  	[bflag:$0x3] =	sbarrier.arrive $0xFFFF  }
0x137: {  	_ =	shalt  }

</sc_bundles>
